<compile_context>
chip_gen: v7x
topology: tpu7x:2x2x1
jax: 0.10.2.dev20260603
libtpu: 0.0.44.dev20260713+nightly
codegen_flags: <defaults>
</compile_context>

<pallas_src>
import functools

import jax
import jax.numpy as jnp
from jax import lax
from jax.experimental import pallas as pl
from jax.experimental.pallas import tpu as pltpu
from jax.experimental.pallas import tpu_sc as plsc

NC = 2
NS = 16
CH = 128


@functools.partial(jax.jit, static_argnums=(4, 5, 6))
def _sc_agg(tab, rows, cols, zeros, nt, e_sc, feat):
    ept = e_sc // NS
    nch = ept // CH
    rpt = nt // NS
    mesh = plsc.VectorSubcoreMesh(
        core_axis_name="c", subcore_axis_name="s",
        num_cores=NC, num_subcores=NS)

    @functools.partial(
        pl.kernel,
        out_type=jax.ShapeDtypeStruct((NC, nt, feat), jnp.float32),
        mesh=mesh,
        scratch_types=[
            pltpu.VMEM((CH,), jnp.int32),
            pltpu.VMEM((CH,), jnp.int32),
            pltpu.VMEM((CH, feat), jnp.float32),
            pltpu.VMEM((CH, feat), jnp.float32),
            pltpu.VMEM_SHARED((nt, feat), jnp.float32),
            pltpu.SemaphoreType.DMA,
        ],
    )
    def k(tab, rows, cols, zeros, out, colbuf, rowbuf, gbuf, zbuf, acc, sem):
        c = lax.axis_index("c")
        s = lax.axis_index("s")

        pltpu.sync_copy(zeros, zbuf)

        @pl.loop(0, rpt // CH)
        def _(kk):
            pltpu.sync_copy(zbuf, acc.at[pl.ds(s * rpt + kk * CH, CH)])

        plsc.subcore_barrier()

        base = s * ept

        @pl.loop(0, nch)
        def _(j):
            off = base + j * CH
            pltpu.sync_copy(cols.at[c, pl.ds(off, CH)], colbuf)
            pltpu.sync_copy(rows.at[c, pl.ds(off, CH)], rowbuf)
            pltpu.async_copy(tab.at[colbuf], gbuf, sem).wait()
            pltpu.sync_copy(gbuf, acc.at[rowbuf], add=True)

        plsc.subcore_barrier()

        @pl.loop(0, rpt // CH)
        def _(kk):
            r0 = s * rpt + kk * CH
            pltpu.sync_copy(acc.at[pl.ds(r0, CH)], gbuf)
            pltpu.sync_copy(gbuf, out.at[c, pl.ds(r0, CH)])

    return k(tab, rows, cols, zeros)


@functools.partial(jax.jit, static_argnums=(2, 3))
def _sc_count(rows, ones, nt, e_sc):
    ept = e_sc // NS
    nch = ept // CH
    rpt = nt // NS
    mesh = plsc.VectorSubcoreMesh(
        core_axis_name="c", subcore_axis_name="s",
        num_cores=NC, num_subcores=NS)

    @functools.partial(
        pl.kernel,
        out_type=jax.ShapeDtypeStruct((NC, nt, 16), jnp.float32),
        mesh=mesh,
        scratch_types=[
            pltpu.VMEM((CH,), jnp.int32),
            pltpu.VMEM((CH, 16), jnp.float32),
            pltpu.VMEM((CH, 16), jnp.float32),
            pltpu.VMEM_SHARED((nt, 16), jnp.float32),
        ],
    )
    def k(rows, ones, out, rowbuf, obuf, zbuf, acc):
        c = lax.axis_index("c")
        s = lax.axis_index("s")

        pltpu.sync_copy(ones.at[pl.ds(0, CH)], obuf)
        pltpu.sync_copy(ones.at[pl.ds(CH, CH)], zbuf)

        @pl.loop(0, rpt // CH)
        def _(kk):
            pltpu.sync_copy(zbuf, acc.at[pl.ds(s * rpt + kk * CH, CH)])

        plsc.subcore_barrier()

        base = s * ept

        @pl.loop(0, nch)
        def _(j):
            off = base + j * CH
            pltpu.sync_copy(rows.at[c, pl.ds(off, CH)], rowbuf)
            pltpu.sync_copy(obuf, acc.at[rowbuf], add=True)

        plsc.subcore_barrier()

        @pl.loop(0, rpt // CH)
        def _(kk):
            r0 = s * rpt + kk * CH
            pltpu.sync_copy(acc.at[pl.ds(r0, CH)], obuf)
            pltpu.sync_copy(obuf, out.at[c, pl.ds(r0, CH)])

    return k(rows, ones)


def _rc(cr):
    return 1.0 / jnp.maximum(cr[0, :, 0:1] + cr[1, :, 0:1], 1.0)


def _g1_body(S, cr, hp, Wr, Br, z, t, rh):
    rc = _rc(cr)
    ax = S[0] * rc
    ah = S[1] * rc
    dot = lambda a, w: jnp.dot(a, w, preferred_element_type=jnp.float32)
    z[...] = jax.nn.sigmoid(dot(ax, Wr[0]) + dot(ah, Wr[1]) + (Br[0] + Br[1]))
    r = jax.nn.sigmoid(dot(ax, Wr[2]) + dot(ah, Wr[3]) + (Br[2] + Br[3]))
    t[...] = dot(ax, Wr[4]) + Br[4]
    rh[...] = r * hp[...]


def _g2_body(t, P, cr, hp, z, Wr, Br, hn):
    arh = (P[0] + P[1]) * _rc(cr)
    g = jnp.tanh(t[...] + jnp.dot(arh, Wr[5], preferred_element_type=jnp.float32)
                 + Br[5])
    zz = z[...]
    hn[...] = zz * hp[...] + (1.0 - zz) * g


@functools.partial(jax.jit, static_argnums=(5,))
def _tc_gates1(S, cr, hp, Wl, Bl, bn):
    n = hp.shape[0]
    return pl.pallas_call(
        _g1_body,
        grid=(n // bn,),
        in_specs=[
            pl.BlockSpec((2, bn, 128), lambda i: (0, i, 0)),
            pl.BlockSpec((2, bn, 16), lambda i: (0, i, 0)),
            pl.BlockSpec((bn, 128), lambda i: (i, 0)),
            pl.BlockSpec((6, 128, 128), lambda i: (0, 0, 0)),
            pl.BlockSpec((6, 128), lambda i: (0, 0)),
        ],
        out_specs=[pl.BlockSpec((bn, 128), lambda i: (i, 0))] * 3,
        out_shape=[jax.ShapeDtypeStruct((n, 128), jnp.float32)] * 3,
    )(S, cr, hp, Wl, Bl)


@functools.partial(jax.jit, static_argnums=(7,))
def _tc_gates2(t, P, cr, hp, z, Wl, Bl, bn):
    n = hp.shape[0]
    return pl.pallas_call(
        _g2_body,
        grid=(n // bn,),
        in_specs=[
            pl.BlockSpec((bn, 128), lambda i: (i, 0)),
            pl.BlockSpec((2, bn, 128), lambda i: (0, i, 0)),
            pl.BlockSpec((2, bn, 16), lambda i: (0, i, 0)),
            pl.BlockSpec((bn, 128), lambda i: (i, 0)),
            pl.BlockSpec((bn, 128), lambda i: (i, 0)),
            pl.BlockSpec((6, 128, 128), lambda i: (0, 0, 0)),
            pl.BlockSpec((6, 128), lambda i: (0, 0)),
        ],
        out_specs=pl.BlockSpec((bn, 128), lambda i: (i, 0)),
        out_shape=jax.ShapeDtypeStruct((n, 128), jnp.float32),
    )(t, P, cr, hp, z, Wl, Bl)


@jax.jit
def _run(inp, edgidx, h, W, B):
    n = inp.shape[0]
    e = edgidx.shape[1]
    nlayers = h.shape[0]
    bn = 1000 if n % 1000 == 0 else 8 * (n // 8)

    nt = ((n + 1 + NS * CH - 1) // (NS * CH)) * (NS * CH)

    row, col = edgidx[0], edgidx[1]
    mask = row != col
    rowe = jnp.where(mask, row, n)
    ar = jnp.arange(n, dtype=jnp.int32)
    row_f = jnp.concatenate([rowe, ar])
    col_f = jnp.concatenate([col, ar])
    etot = e + n
    ep = ((etot + 2 * NS * CH - 1) // (2 * NS * CH)) * (2 * NS * CH)
    pad = ep - etot
    row_p = jnp.concatenate([row_f, jnp.full((pad,), n, jnp.int32)])
    col_p = jnp.concatenate([col_f, jnp.zeros((pad,), jnp.int32)])

    rows_d = jnp.stack([row_p, row_p])
    cols_d = jnp.stack([col_p, col_p + n])
    rows_s = row_p.reshape(2, ep // 2)
    cols_s = col_p.reshape(2, ep // 2)

    z128 = jnp.zeros((CH, 128), jnp.float32)
    ones_z = jnp.concatenate(
        [jnp.ones((CH, 16), jnp.float32), jnp.zeros((CH, 16), jnp.float32)])

    cr = _sc_count(rows_s, ones_z, nt, ep // 2)

    h_prev = inp
    h_out = []
    for i in range(nlayers):
        hp = h[i]
        tab = jnp.concatenate([h_prev, hp], axis=0)
        S = _sc_agg(tab, rows_d, cols_d, z128, nt, ep, 128)
        z, t, rh = _tc_gates1(S, cr, hp, W[i], B[i], bn)
        P = _sc_agg(rh, rows_s, cols_s, z128, nt, ep // 2, 128)
        hn = _tc_gates2(t, P, cr, hp, z, W[i], B[i], bn)
        h_out.append(hn)
        h_prev = hn

    out = jnp.stack(h_out, axis=0)
    return (out, out)


def kernel(inp, edgidx, h, W, B):
    return _run(inp, edgidx, h, W, B)

# --- scband reference (transcript-rebuilt; emitter-appended) ---
"""Pipeline reference for scband-graph-gru-sage-19645180412753 (READ-ONLY COPY).

The authoritative reference and input builder live on the scoring server;
editing this copy changes nothing except your own understanding.
"""

import jax, jax.numpy as jnp
import numpy as np

N = 10000
E = 320000
D = 128
HID = 128
L = 2


def setup_inputs(seed: int = 0):
    key = jax.random.key(seed)
    k = jax.random.split(key, 5)
    inp = jax.random.normal(k[0], (N, D), dtype=jnp.float32)
    edgidx = jax.random.randint(k[1], (2, E), 0, N, dtype=jnp.int32)
    h = jax.random.normal(k[2], (L, N, HID), dtype=jnp.float32)
    bound = 1.0 / np.sqrt(D)
    W = jax.random.uniform(k[3], (L, 6, HID, HID), minval=-bound, maxval=bound, dtype=jnp.float32)
    B = jax.random.uniform(k[4], (L, 6, HID), minval=-bound, maxval=bound, dtype=jnp.float32)
    return {"inp": inp, "edgidx": edgidx, "h": h, "W": W, "B": B}


def _build_edges(edgidx, n):
    # remove_self_loops then add_self_loops (as in the torch SAGEConv.forward)
    row = edgidx[0]
    col = edgidx[1]
    mask = row != col
    row = jnp.where(mask, row, 0)
    col = jnp.where(mask, col, 0)
    loop = jnp.arange(n, dtype=row.dtype)
    row = jnp.concatenate([row, loop])
    col = jnp.concatenate([col, loop])
    valid = jnp.concatenate([mask, jnp.ones((n,), dtype=jnp.bool_)])
    return row, col, valid


def _sage(x, w, b, row, col, valid, n):
    # SAGEConv with pool='mean', act=identity, bias=True
    out = x @ w + b
    msg = out[col] * valid[:, None].astype(out.dtype)
    s = jax.ops.segment_sum(msg, row, num_segments=n)
    cnt = jax.ops.segment_sum(valid.astype(out.dtype), row, num_segments=n)
    cnt = jnp.clip(cnt, 1.0, None)
    return s / cnt[:, None]


def reference(inp, edgidx, h, W, B):
    n = inp.shape[0]
    row, col, valid = _build_edges(edgidx, n)
    h_out = []
    for i in range(L):
        x_in = inp if i == 0 else h_out[i - 1]
        hp = h[i]
        z_g = jax.nn.sigmoid(_sage(x_in, W[i, 0], B[i, 0], row, col, valid, n) + _sage(hp, W[i, 1], B[i, 1], row, col, valid, n))
        r_g = jax.nn.sigmoid(_sage(x_in, W[i, 2], B[i, 2], row, col, valid, n) + _sage(hp, W[i, 3], B[i, 3], row, col, valid, n))
        h_tilde = jnp.tanh(_sage(x_in, W[i, 4], B[i, 4], row, col, valid, n) + _sage(r_g * hp, W[i, 5], B[i, 5], row, col, valid, n))
        h_out.append(z_g * hp + (1.0 - z_g) * h_tilde)
    out = jnp.stack(h_out, axis=0)
    return (out, out)

if __name__ == "__main__":
    import jax
    _d = setup_inputs()
    print(jax.jit(kernel)(*tuple(_d.values())))

</pallas_src>

<mosaic_0001>
#map = affine_map<(d0, d1) -> (0, 0)>
#map1 = affine_map<(d0, d1) -> (0, 0, 0)>
module attributes {stable_mosaic.version = 14 : i64} {
  func.func @k(%arg0: i32, %arg1: i32, %arg2: memref<2x165888xi32, #tpu.memory_space<hbm>>, %arg3: memref<256x16xf32, #tpu.memory_space<hbm>>, %arg4: memref<2x10240x16xf32, #tpu.memory_space<hbm>>, %arg5: memref<128xi32, #tpu.memory_space<vmem>>, %arg6: memref<128x16xf32, #tpu.memory_space<vmem>>, %arg7: memref<128x16xf32, #tpu.memory_space<vmem>>, %arg8: memref<10240x16xf32, #tpu.memory_space<vmem_shared>>) attributes {dimension_semantics = [#tpu.dimension_semantics<core_parallel>, #tpu.dimension_semantics<subcore_parallel>], iteration_bounds = array<i64: 2, 16>, scalar_prefetch = 0 : i64, scratch_operands = 4 : i64, tpu.core_type = #tpu.core_type<sc_vector_subcore>, window_params = [{transform_indices = #map}, {transform_indices = #map}, {transform_indices = #map1}]} {
    "tpu.region"() ({
      %run_scoped3A = tpu.sem_alloc : memref<!tpu.dma_semaphore, #tpu.memory_space<semaphore_mem>>
      %dma_start3A = arith.constant 0 : i32
      %dma_start3A_16 = arith.constant 0 : i32
      %dma_start3A_17 = tpu.memref_slice %arg3[%dma_start3A, %dma_start3A_16] : memref<256x16xf32, #tpu.memory_space<hbm>> -> memref<128x16xf32, #tpu.memory_space<hbm>>
      %dma_start3A_18 = arith.constant 0 : i32
      %dma_start3A_19 = arith.constant 0 : i32
      %dma_start3A_20 = tpu.memref_slice %arg3[%dma_start3A_18, %dma_start3A_19] : memref<256x16xf32, #tpu.memory_space<hbm>> -> memref<128x16xf32, #tpu.memory_space<hbm>>
      tpu.enqueue_dma source(%dma_start3A_20 : memref<128x16xf32, #tpu.memory_space<hbm>>) target(%arg6 : memref<128x16xf32, #tpu.memory_space<vmem>>) target_semaphore(%run_scoped3A : memref<!tpu.dma_semaphore, #tpu.memory_space<semaphore_mem>>)
      %dma_wait3A = arith.constant 0 : i32
      %dma_wait3A_21 = arith.constant 0 : i32
      %dma_wait3A_22 = tpu.memref_slice %arg3[%dma_wait3A, %dma_wait3A_21] : memref<256x16xf32, #tpu.memory_space<hbm>> -> memref<128x16xf32, #tpu.memory_space<hbm>>
      %dma_wait3A_23 = arith.constant 0 : i32
      %dma_wait3A_24 = arith.constant 0 : i32
      %dma_wait3A_25 = tpu.memref_slice %arg3[%dma_wait3A_23, %dma_wait3A_24] : memref<256x16xf32, #tpu.memory_space<hbm>> -> memref<128x16xf32, #tpu.memory_space<hbm>>
      tpu.wait_dma2 semaphore(%run_scoped3A : memref<!tpu.dma_semaphore, #tpu.memory_space<semaphore_mem>>) src(%dma_wait3A_25 : memref<128x16xf32, #tpu.memory_space<hbm>>) dst(%arg6 : memref<128x16xf32, #tpu.memory_space<vmem>>)
      tpu.yield
    }) : () -> ()
    "tpu.region"() ({
      %run_scoped3A = tpu.sem_alloc : memref<!tpu.dma_semaphore, #tpu.memory_space<semaphore_mem>>
      %dma_start3A = arith.constant 128 : i32
      %dma_start3A_16 = arith.constant 0 : i32
      %dma_start3A_17 = tpu.memref_slice %arg3[%dma_start3A, %dma_start3A_16] : memref<256x16xf32, #tpu.memory_space<hbm>> -> memref<128x16xf32, #tpu.memory_space<hbm>>
      %dma_start3A_18 = arith.constant 128 : i32
      %dma_start3A_19 = arith.constant 0 : i32
      %dma_start3A_20 = tpu.memref_slice %arg3[%dma_start3A_18, %dma_start3A_19] : memref<256x16xf32, #tpu.memory_space<hbm>> -> memref<128x16xf32, #tpu.memory_space<hbm>>
      tpu.enqueue_dma source(%dma_start3A_20 : memref<128x16xf32, #tpu.memory_space<hbm>>) target(%arg7 : memref<128x16xf32, #tpu.memory_space<vmem>>) target_semaphore(%run_scoped3A : memref<!tpu.dma_semaphore, #tpu.memory_space<semaphore_mem>>)
      %dma_wait3A = arith.constant 128 : i32
      %dma_wait3A_21 = arith.constant 0 : i32
      %dma_wait3A_22 = tpu.memref_slice %arg3[%dma_wait3A, %dma_wait3A_21] : memref<256x16xf32, #tpu.memory_space<hbm>> -> memref<128x16xf32, #tpu.memory_space<hbm>>
      %dma_wait3A_23 = arith.constant 128 : i32
      %dma_wait3A_24 = arith.constant 0 : i32
      %dma_wait3A_25 = tpu.memref_slice %arg3[%dma_wait3A_23, %dma_wait3A_24] : memref<256x16xf32, #tpu.memory_space<hbm>> -> memref<128x16xf32, #tpu.memory_space<hbm>>
      tpu.wait_dma2 semaphore(%run_scoped3A : memref<!tpu.dma_semaphore, #tpu.memory_space<semaphore_mem>>) src(%dma_wait3A_25 : memref<128x16xf32, #tpu.memory_space<hbm>>) dst(%arg7 : memref<128x16xf32, #tpu.memory_space<vmem>>)
      tpu.yield
    }) : () -> ()
    %scan3A = arith.constant 0 : i32
    %scan3A_0 = arith.constant 5 : i32
    %scan3A_1 = arith.addi %scan3A, %scan3A_0 : i32
    %scan3A_2 = arith.constant 1 : i32
    scf.for %scan3A_16 = %scan3A to %scan3A_1 step %scan3A_2  : i32 {
      %mul3A_17 = arith.constant 1 : i32
      %mul3A_18 = arith.muli %scan3A_16, %mul3A_17 : i32
      %add3A = arith.constant 0 : i32
      %add3A_19 = arith.addi %add3A, %mul3A_18 : i32
      %mul3A_20 = arith.constant 640 : i32
      %mul3A_21 = arith.muli %arg1, %mul3A_20 : i32
      %mul3A_22 = arith.constant 128 : i32
      %mul3A_23 = arith.muli %add3A_19, %mul3A_22 : i32
      %add3A_24 = arith.addi %mul3A_21, %mul3A_23 : i32
      "tpu.region"() ({
        %run_scoped3A = tpu.sem_alloc : memref<!tpu.dma_semaphore, #tpu.memory_space<semaphore_mem>>
        %dma_start3A = arith.constant 0 : i32
        %dma_start3A_25 = tpu.memref_slice %arg8[%add3A_24, %dma_start3A] : memref<10240x16xf32, #tpu.memory_space<vmem_shared>> -> memref<128x16xf32, #tpu.memory_space<vmem_shared>>
        %dma_start3A_26 = arith.constant 0 : i32
        %dma_start3A_27 = tpu.memref_slice %arg8[%add3A_24, %dma_start3A_26] : memref<10240x16xf32, #tpu.memory_space<vmem_shared>> -> memref<128x16xf32, #tpu.memory_space<vmem_shared>>
        tpu.enqueue_dma source(%arg7 : memref<128x16xf32, #tpu.memory_space<vmem>>) target(%dma_start3A_27 : memref<128x16xf32, #tpu.memory_space<vmem_shared>>) target_semaphore(%run_scoped3A : memref<!tpu.dma_semaphore, #tpu.memory_space<semaphore_mem>>)
        %dma_wait3A = arith.constant 0 : i32
        %dma_wait3A_28 = tpu.memref_slice %arg8[%add3A_24, %dma_wait3A] : memref<10240x16xf32, #tpu.memory_space<vmem_shared>> -> memref<128x16xf32, #tpu.memory_space<vmem_shared>>
        %dma_wait3A_29 = arith.constant 0 : i32
        %dma_wait3A_30 = tpu.memref_slice %arg8[%add3A_24, %dma_wait3A_29] : memref<10240x16xf32, #tpu.memory_space<vmem_shared>> -> memref<128x16xf32, #tpu.memory_space<vmem_shared>>
        tpu.wait_dma2 semaphore(%run_scoped3A : memref<!tpu.dma_semaphore, #tpu.memory_space<semaphore_mem>>) src(%arg7 : memref<128x16xf32, #tpu.memory_space<vmem>>) dst(%dma_wait3A_30 : memref<128x16xf32, #tpu.memory_space<vmem_shared>>)
        tpu.yield
      }) : () -> ()
    }
    %scan3A_3 = arith.constant 5 : i32
    %barrier3A = arith.constant 0 : index
    tpu.barrier barrier_id(%barrier3A)
    %mul3A = arith.constant 10368 : i32
    %mul3A_4 = arith.muli %arg1, %mul3A : i32
    %scan3A_5 = arith.constant 0 : i32
    %scan3A_6 = arith.constant 81 : i32
    %scan3A_7 = arith.addi %scan3A_5, %scan3A_6 : i32
    %scan3A_8 = arith.constant 1 : i32
    scf.for %scan3A_16 = %scan3A_5 to %scan3A_7 step %scan3A_8  : i32 {
      %mul3A_17 = arith.constant 1 : i32
      %mul3A_18 = arith.muli %scan3A_16, %mul3A_17 : i32
      %add3A = arith.constant 0 : i32
      %add3A_19 = arith.addi %add3A, %mul3A_18 : i32
      %mul3A_20 = arith.constant 128 : i32
      %mul3A_21 = arith.muli %add3A_19, %mul3A_20 : i32
      %add3A_22 = arith.addi %mul3A_4, %mul3A_21 : i32
      "tpu.region"() ({
        %run_scoped3A = tpu.sem_alloc : memref<!tpu.dma_semaphore, #tpu.memory_space<semaphore_mem>>
        %dma_start3A = tpu.memref_slice %arg2[%arg0, %add3A_22] : memref<2x165888xi32, #tpu.memory_space<hbm>> -> memref<1x128xi32, #tpu.memory_space<hbm>>
        %dma_start3A_23 = tpu.memref_squeeze %dma_start3A : memref<1x128xi32, #tpu.memory_space<hbm>> -> memref<128xi32, #tpu.memory_space<hbm>>
        %dma_start3A_24 = tpu.memref_slice %arg2[%arg0, %add3A_22] : memref<2x165888xi32, #tpu.memory_space<hbm>> -> memref<1x128xi32, #tpu.memory_space<hbm>>
        %dma_start3A_25 = tpu.memref_squeeze %dma_start3A_24 : memref<1x128xi32, #tpu.memory_space<hbm>> -> memref<128xi32, #tpu.memory_space<hbm>>
        tpu.enqueue_dma source(%dma_start3A_25 : memref<128xi32, #tpu.memory_space<hbm>>) target(%arg5 : memref<128xi32, #tpu.memory_space<vmem>>) target_semaphore(%run_scoped3A : memref<!tpu.dma_semaphore, #tpu.memory_space<semaphore_mem>>)
        %dma_wait3A = tpu.memref_slice %arg2[%arg0, %add3A_22] : memref<2x165888xi32, #tpu.memory_space<hbm>> -> memref<1x128xi32, #tpu.memory_space<hbm>>
        %dma_wait3A_26 = tpu.memref_squeeze %dma_wait3A : memref<1x128xi32, #tpu.memory_space<hbm>> -> memref<128xi32, #tpu.memory_space<hbm>>
        %dma_wait3A_27 = tpu.memref_slice %arg2[%arg0, %add3A_22] : memref<2x165888xi32, #tpu.memory_space<hbm>> -> memref<1x128xi32, #tpu.memory_space<hbm>>
        %dma_wait3A_28 = tpu.memref_squeeze %dma_wait3A_27 : memref<1x128xi32, #tpu.memory_space<hbm>> -> memref<128xi32, #tpu.memory_space<hbm>>
        tpu.wait_dma2 semaphore(%run_scoped3A : memref<!tpu.dma_semaphore, #tpu.memory_space<semaphore_mem>>) src(%dma_wait3A_28 : memref<128xi32, #tpu.memory_space<hbm>>) dst(%arg5 : memref<128xi32, #tpu.memory_space<vmem>>)
        tpu.yield
      }) : () -> ()
      "tpu.region"() ({
        %run_scoped3A = tpu.sem_alloc : memref<!tpu.dma_semaphore, #tpu.memory_space<semaphore_mem>>
        %dma_start3A = arith.constant 0 : i32
        %dma_start3A_23 = arith.constant 0 : i32
        %dma_start3A_24 = tpu.memref_slice %arg8[%dma_start3A, %dma_start3A_23] : memref<10240x16xf32, #tpu.memory_space<vmem_shared>> -> memref<10240x16xf32, #tpu.memory_space<vmem_shared>>
        tpu.enqueue_indirect_dma source(%arg6 : memref<128x16xf32, #tpu.memory_space<vmem>>) target(%dma_start3A_24 : memref<10240x16xf32, #tpu.memory_space<vmem_shared>>) offsets(%arg5 : memref<128xi32, #tpu.memory_space<vmem>>) semaphore(%run_scoped3A : memref<!tpu.dma_semaphore, #tpu.memory_space<semaphore_mem>>) {add = true}
        %dma_wait3A = arith.constant 0 : i32
        %dma_wait3A_25 = arith.constant 0 : i32
        %dma_wait3A_26 = tpu.memref_slice %arg8[%dma_wait3A, %dma_wait3A_25] : memref<10240x16xf32, #tpu.memory_space<vmem_shared>> -> memref<10240x16xf32, #tpu.memory_space<vmem_shared>>
        tpu.wait_indirect_dma semaphore(%run_scoped3A : memref<!tpu.dma_semaphore, #tpu.memory_space<semaphore_mem>>) src(%arg6 : memref<128x16xf32, #tpu.memory_space<vmem>>) dst(%dma_wait3A_26 : memref<10240x16xf32, #tpu.memory_space<vmem_shared>>)
        tpu.yield
      }) : () -> ()
    }
    %scan3A_9 = arith.constant 81 : i32
    %barrier3A_10 = arith.constant 0 : index
    tpu.barrier barrier_id(%barrier3A_10)
    %scan3A_11 = arith.constant 0 : i32
    %scan3A_12 = arith.constant 5 : i32
    %scan3A_13 = arith.addi %scan3A_11, %scan3A_12 : i32
    %scan3A_14 = arith.constant 1 : i32
    scf.for %scan3A_16 = %scan3A_11 to %scan3A_13 step %scan3A_14  : i32 {
      %mul3A_17 = arith.constant 1 : i32
      %mul3A_18 = arith.muli %scan3A_16, %mul3A_17 : i32
      %add3A = arith.constant 0 : i32
      %add3A_19 = arith.addi %add3A, %mul3A_18 : i32
      %mul3A_20 = arith.constant 640 : i32
      %mul3A_21 = arith.muli %arg1, %mul3A_20 : i32
      %mul3A_22 = arith.constant 128 : i32
      %mul3A_23 = arith.muli %add3A_19, %mul3A_22 : i32
      %add3A_24 = arith.addi %mul3A_21, %mul3A_23 : i32
      "tpu.region"() ({
        %run_scoped3A = tpu.sem_alloc : memref<!tpu.dma_semaphore, #tpu.memory_space<semaphore_mem>>
        %dma_start3A = arith.constant 0 : i32
        %dma_start3A_25 = tpu.memref_slice %arg8[%add3A_24, %dma_start3A] : memref<10240x16xf32, #tpu.memory_space<vmem_shared>> -> memref<128x16xf32, #tpu.memory_space<vmem_shared>>
        %dma_start3A_26 = arith.constant 0 : i32
        %dma_start3A_27 = tpu.memref_slice %arg8[%add3A_24, %dma_start3A_26] : memref<10240x16xf32, #tpu.memory_space<vmem_shared>> -> memref<128x16xf32, #tpu.memory_space<vmem_shared>>
        tpu.enqueue_dma source(%dma_start3A_27 : memref<128x16xf32, #tpu.memory_space<vmem_shared>>) target(%arg6 : memref<128x16xf32, #tpu.memory_space<vmem>>) target_semaphore(%run_scoped3A : memref<!tpu.dma_semaphore, #tpu.memory_space<semaphore_mem>>)
        %dma_wait3A = arith.constant 0 : i32
        %dma_wait3A_28 = tpu.memref_slice %arg8[%add3A_24, %dma_wait3A] : memref<10240x16xf32, #tpu.memory_space<vmem_shared>> -> memref<128x16xf32, #tpu.memory_space<vmem_shared>>
        %dma_wait3A_29 = arith.constant 0 : i32
        %dma_wait3A_30 = tpu.memref_slice %arg8[%add3A_24, %dma_wait3A_29] : memref<10240x16xf32, #tpu.memory_space<vmem_shared>> -> memref<128x16xf32, #tpu.memory_space<vmem_shared>>
        tpu.wait_dma2 semaphore(%run_scoped3A : memref<!tpu.dma_semaphore, #tpu.memory_space<semaphore_mem>>) src(%dma_wait3A_30 : memref<128x16xf32, #tpu.memory_space<vmem_shared>>) dst(%arg6 : memref<128x16xf32, #tpu.memory_space<vmem>>)
        tpu.yield
      }) : () -> ()
      "tpu.region"() ({
        %run_scoped3A = tpu.sem_alloc : memref<!tpu.dma_semaphore, #tpu.memory_space<semaphore_mem>>
        %dma_start3A = arith.constant 0 : i32
        %dma_start3A_25 = tpu.memref_slice %arg4[%arg0, %add3A_24, %dma_start3A] : memref<2x10240x16xf32, #tpu.memory_space<hbm>> -> memref<1x128x16xf32, #tpu.memory_space<hbm>>
        %dma_start3A_26 = tpu.memref_squeeze %dma_start3A_25 : memref<1x128x16xf32, #tpu.memory_space<hbm>> -> memref<128x16xf32, #tpu.memory_space<hbm>>
        %dma_start3A_27 = arith.constant 0 : i32
        %dma_start3A_28 = tpu.memref_slice %arg4[%arg0, %add3A_24, %dma_start3A_27] : memref<2x10240x16xf32, #tpu.memory_space<hbm>> -> memref<1x128x16xf32, #tpu.memory_space<hbm>>
        %dma_start3A_29 = tpu.memref_squeeze %dma_start3A_28 : memref<1x128x16xf32, #tpu.memory_space<hbm>> -> memref<128x16xf32, #tpu.memory_space<hbm>>
        tpu.enqueue_dma source(%arg6 : memref<128x16xf32, #tpu.memory_space<vmem>>) target(%dma_start3A_29 : memref<128x16xf32, #tpu.memory_space<hbm>>) target_semaphore(%run_scoped3A : memref<!tpu.dma_semaphore, #tpu.memory_space<semaphore_mem>>)
        %dma_wait3A = arith.constant 0 : i32
        %dma_wait3A_30 = tpu.memref_slice %arg4[%arg0, %add3A_24, %dma_wait3A] : memref<2x10240x16xf32, #tpu.memory_space<hbm>> -> memref<1x128x16xf32, #tpu.memory_space<hbm>>
        %dma_wait3A_31 = tpu.memref_squeeze %dma_wait3A_30 : memref<1x128x16xf32, #tpu.memory_space<hbm>> -> memref<128x16xf32, #tpu.memory_space<hbm>>
        %dma_wait3A_32 = arith.constant 0 : i32
        %dma_wait3A_33 = tpu.memref_slice %arg4[%arg0, %add3A_24, %dma_wait3A_32] : memref<2x10240x16xf32, #tpu.memory_space<hbm>> -> memref<1x128x16xf32, #tpu.memory_space<hbm>>
        %dma_wait3A_34 = tpu.memref_squeeze %dma_wait3A_33 : memref<1x128x16xf32, #tpu.memory_space<hbm>> -> memref<128x16xf32, #tpu.memory_space<hbm>>
        tpu.wait_dma2 semaphore(%run_scoped3A : memref<!tpu.dma_semaphore, #tpu.memory_space<semaphore_mem>>) src(%arg6 : memref<128x16xf32, #tpu.memory_space<vmem>>) dst(%dma_wait3A_34 : memref<128x16xf32, #tpu.memory_space<hbm>>)
        tpu.yield
      }) : () -> ()
    }
    %scan3A_15 = arith.constant 5 : i32
    return
  }
}

</mosaic_0001>

<sc_bundles>
// kernel: _sc_count.3.cloned.1.call-start
scs
__scs_entry_jumppad:
0x0: {  	(pc) =	sbr.rel $0x88, $3  }
0x1: {  	(tag) =	ssettag $0x0;
	lr =	simm.s32 $0x1  }
0x2: {  	[smem:$0x3F9F] =	sst lr;
	_ =	strace $0xD0000000  }
0x3: {  	_ = 	snop  }
0x4: {  	_ = 	snop  }
0x5: {  	_ = 	snop  }
0x6: {  	_ = 	snop  }
0x7: {  	_ = 	snop  }
__scs_overlays_trampoline_lowered:
0x8: {  	[smem:$0x3FAE] =	sst s0  }
0x9: {  	[smem:$0x3FAF] =	sst s1  }
0xa: {  	[smem:$0x3FB0] =	sst s2  }
0xb: {  	[smem:$0x3FB1] =	sst s3  }
0xc: {  	[smem:$0x3FB2] =	sst s4  }
0xd: {  	[smem:$0x3FB3] =	sst s5  }
0xe: {  	[smem:$0x3FB4] =	sst s6  }
0xf: {  	[smem:$0x3FB5] =	sst s7  }
0x10: {  	[smem:$0x3FB6] =	sst s8  }
0x11: {  	[smem:$0x3FB7] =	sst s9;
	s0 =	simm.s32 @!p0 $0x0  }
0x12: {  	s1 =	sld [smem:$0x3F9D];
	s0 =	simm.s32 @p0 $0x1  }
0x13: {  	[smem:$0x3FB8] =	sst s0;
	s0 =	simm.s32 @!p1 $0x0  }
0x14: {  	s2 =	sld [smem:$0x3F9C];
	s0 =	simm.s32 @p1 $0x1  }
0x15: {  	[smem:$0x3FB9] =	sst s0;
	s0 =	simm.s32 @!p2 $0x0  }
0x16: {  	s3 =	sld [smem:$0x3FDB];
	s0 =	simm.s32 @p2 $0x1  }
0x17: {  	s4 =	simm.s32 $0x1BF5;
	[smem:$0x3FBB] =	sst s0  }
0x18: {  	s0 =	sld [smem:$0x3F9E];
	_ =	swait.ge [sflag:s4], $0x0  }
0x19: {  	s7 =	sld [smem:$0x3F9F]  }
0x1a: {  	s8 =	sadd.s32 $0xFFFFE003, lr  }
0x1b: {  	s9 =	sadd.s32 $0xFFFFFEF7, lr;
	s5 =	simm.s32 $0xFFFFFFFF;
	p2 =	slt.u32 s8, $0xFFFFF086  }
0x1c: {  	p1 =	slt.u32 s9, $0xF7A;
	s5 =	simm.s32 @!p2 $0x0  }
0x1d: {  	s5 =	simm.s32 @p1 $0x1;
	p0 =	seq.s32 s7, s2  }
0x1e: {  	s7 =	smul.u32 @!p0 $0xF7A, s2;
	p2 =	seq.s32 @!p0 s5, $0x0  }
0x1f: {  	s9 =	smul.u32 $0xF7A, s1;
	s8 =	simm.s32 @!p0 $0x1BF5;
	p2 =	por !p2, p0  }
0x20: {  	[sflag:s8] =	ssyncset.s32 @!p0 $0xFFFFF086;
	s6 =	sadd.s32 @!p0 s3, s7;
	s7 =	simm.s32 @!p0 $0x108  }
0x21: {  	s3 =	sadd.s32 s3, s9;
	s6 =	sadd.s32 @!p0 $0x88, s6;
	s7 =	simm.s32 @p2 $0x1082  }
0x22: {  	[simem:s7], [sflag:s8] =	dma.local @!p0 [hbm:s6], $0xF7A  }
0x23: {  	s9 =	sor.u32 $0xD0000000, s2;
	s6 =	simm.s32 $0x108;
	_ =	swait.ge @!p0 [sflag:s8], $0x0  }
0x24: {  	s3 =	sadd.s32 $0x88, s3;
	s6 =	simm.s32 @!p1 $0x1082;
	[sflag:s4] =	ssyncset.s32 $0xFFFFF086  }
0x25: {  	[simem:s6], [sflag:s4] =	dma.local [hbm:s3], $0xF7A  }
0x26: {  	[smem:$0x3F9F] =	sst s1;
	(tag) =	ssettag s2;
	_ =	strace s9  }
0x27: {  	s1 =	sld [smem:$0x3FAF]  }
0x28: {  	s2 =	sld [smem:$0x3FB0]  }
0x29: {  	s4 =	sld [smem:$0x3FB2]  }
0x2a: {  	p0 =	seq.s32 s5, $0x0;
	s5 =	sld [smem:$0x3FB3]  }
0x2b: {  	s6 =	sld [smem:$0x3FB4]  }
0x2c: {  	s7 =	sld [smem:$0x3FB5]  }
0x2d: {  	s3 =	simm.s32 $0x108;
	s8 =	sld [smem:$0x3FB6]  }
0x2e: {  	s3 =	simm.s32 @!p0 $0x1082;
	s9 =	sld [smem:$0x3FB7]  }
0x2f: {  	lr =	sadd.s32 s0, s3;
	s0 =	sld [smem:$0x3FAE]  }
0x30: {  	s3 =	sld [smem:$0x3FB1]  }
0x31: {  	[smem:$0x3FBA] =	sst s10  }
0x32: {  	s10 =	sld [smem:$0x3FB8];
	_ =	sdelay $0x3  }
0x33: {  	p0 =	seq.s32 s10, $0x1;
	s10 =	sld [smem:$0x3FBA];
	_ =	sdelay $0x3  }
0x34: {  	[smem:$0x3FBA] =	sst s10  }
0x35: {  	s10 =	sld [smem:$0x3FB9];
	_ =	sdelay $0x3  }
0x36: {  	p1 =	seq.s32 s10, $0x1;
	s10 =	sld [smem:$0x3FBA];
	_ =	sdelay $0x3  }
0x37: {  	[smem:$0x3FBA] =	sst s10  }
0x38: {  	s10 =	sld [smem:$0x3FBB]  }
0x39: {  	_ = 	snop;
	(pc) =	sbr.ind lr, $3  }
0x3a: {  	_ = 	snop  }
0x3b: {  	_ = 	snop  }
0x3c: {  	p2 =	seq.s32 s10, $0x1;
	s10 =	sld [smem:$0x3FBA]  }
0x3d: {  	_ =	shalt  }
0x3e: {  	_ =	shalt  }
0x3f: {  	_ =	shalt  }
0x40: {  	_ =	shalt  }
0x41: {  	_ =	shalt  }
0x42: {  	_ =	shalt  }
0x43: {  	_ =	shalt  }
0x44: {  	_ =	shalt  }
0x45: {  	_ =	shalt  }
0x46: {  	_ =	shalt  }
0x47: {  	_ =	shalt  }
0x48: {  	_ =	shalt  }
0x49: {  	_ =	shalt  }
0x4a: {  	_ =	shalt  }
0x4b: {  	_ =	shalt  }
0x4c: {  	_ =	shalt  }
0x4d: {  	_ =	shalt  }
0x4e: {  	_ =	shalt  }
0x4f: {  	_ =	shalt  }
0x50: {  	_ =	shalt  }
0x51: {  	_ =	shalt  }
0x52: {  	_ =	shalt  }
0x53: {  	_ =	shalt  }
0x54: {  	_ =	shalt  }
0x55: {  	_ =	shalt  }
0x56: {  	_ =	shalt  }
0x57: {  	_ =	shalt  }
0x58: {  	_ =	shalt  }
0x59: {  	_ =	shalt  }
0x5a: {  	_ =	shalt  }
0x5b: {  	_ =	shalt  }
0x5c: {  	_ =	shalt  }
0x5d: {  	_ =	shalt  }
0x5e: {  	_ =	shalt  }
0x5f: {  	_ =	shalt  }
0x60: {  	_ =	shalt  }
0x61: {  	_ =	shalt  }
0x62: {  	_ =	shalt  }
0x63: {  	_ =	shalt  }
0x64: {  	_ =	shalt  }
0x65: {  	_ =	shalt  }
0x66: {  	_ =	shalt  }
0x67: {  	_ =	shalt  }
0x68: {  	_ =	shalt  }
0x69: {  	_ =	shalt  }
0x6a: {  	_ =	shalt  }
0x6b: {  	_ =	shalt  }
0x6c: {  	_ =	shalt  }
0x6d: {  	_ =	shalt  }
0x6e: {  	_ =	shalt  }
0x6f: {  	_ =	shalt  }
0x70: {  	_ =	shalt  }
0x71: {  	_ =	shalt  }
0x72: {  	_ =	shalt  }
0x73: {  	_ =	shalt  }
0x74: {  	_ =	shalt  }
0x75: {  	_ =	shalt  }
0x76: {  	_ =	shalt  }
0x77: {  	_ =	shalt  }
0x78: {  	_ =	shalt  }
0x79: {  	_ =	shalt  }
0x7a: {  	_ =	shalt  }
0x7b: {  	_ =	shalt  }
0x7c: {  	_ =	shalt  }
0x7d: {  	_ =	shalt  }
0x7e: {  	_ =	shalt  }
0x7f: {  	_ =	shalt  }
0x80: {  	_ =	shalt  }
0x81: {  	_ =	shalt  }
0x82: {  	_ =	shalt  }
0x83: {  	_ =	shalt  }
0x84: {  	_ =	shalt  }
0x85: {  	_ =	shalt  }
0x86: {  	_ =	shalt  }
0x87: {  	_ =	shalt  }
.Lfunc_end0:
.L_simem_size_0:
called_computation_lowered:
.L_overlay_start_0:
0x88: {  	s2 =	sld [smem:$0x3FD9]  }
0x89: {  	s3 =	sld [smem:$0x3FFE];
	_ =	sdelay $0x1  }
0x8a: {  	s1 =	srdreg.scid  }
0x8b: {  	s0 =	sand.u32 $0x1, s1  }
0x8c: {  	s17 =	sshll.u32 s0, $0xA;
	s2 =	sadd.s32 s3, s2  }
0x8d: {  	s2 =	sadd.s32 s2, s17  }
0x8e: {  	[smem:$0x3FC6] =	sst s2  }
0x8f: {  	_ = 	snop  }
0x90: {  	s2 =	sld [smem:$0x3FC9]  }
0x91: {  	s18 =	sld [smem:$0x3FD0];
	(tm) =	ssettm $0x1  }
0x92: {  	s4 =	sld [smem:$0x3FFB];
	_ =	sdelay $0x3  }
0x93: {  	_ =	strace s4  }
0x94: {  	s4 =	sld [smem:$0x3FFC];
	_ =	sdelay $0x3  }
0x95: {  	_ =	strace s4  }
0x96: {  	s4 =	sld [smem:$0x3FFD];
	_ =	sdelay $0x3  }
0x97: {  	_ =	strace s4  }
0x98: {  	_ =	strace $0x8FFFFFFF  }
0x99: {  	s19 =	sld [smem:$0x3FDB];
	_ =	sdelay $0x1  }
0x9a: {  	s5 =	simm.s32 $_scs_section_size  }
0x9b: {  	s6 =	simm.s32 $_size__tile_overlayer_lowered;
	s7 =	simm.s32 $_tile_overlayer_lowered  }
0x9c: {  	s22 =	simm.s32 $0x1BFF;
	s21 =	sshll.u32 s7, $0x1;
	s4 =	sadd.s32 s5, s19  }
0x9d: {  	s8 =	simm.s32 $0x0;
	s20 =	sshll.u32 s6, $0x1;
	s6 =	sadd.s32 s21, s4  }
0x9e: {  	[timem:s8], [sflag:s22] =	dma.local [hbm:s6], s20  }
0x9f: {  	_ =	swait.ge [sflag:s22], s20  }
0xa0: {  	s5 =	ssub.s32 $0x0, s20;
	[sflag:s22] =	ssyncset.done $0x0  }
0xa1: {  	[sflag:s22] =	ssyncadd.s32 s5;
	_ =	sdelay $0x1  }
0xa2: {  	s23 =	simm.s32 $0x1B8B  }
0xa3: {  	_ =	swait.ge [sflag:s23], $0x1  }
0xa4: {  	[sflag:s23] =	ssyncset.done $0x0  }
0xa5: {  	s25 =	simm.s32 $0x1B8E;
	s24 =	sld [smem:$0x3FFE];
	[sflag:s23] =	ssyncadd.s32 $0xFFFFFFFF  }
0xa6: {  	s26 =	simm.s32 $execute0_lowered;
	[smem:$0x3FD2] =	sst s25  }
0xa7: {  	s6 =	sshll.u32 s26, $0x1;
	_ =	strace $0x80000046;
	[dreg:$0x1] =	wrdreg $0xFFFFFFFF  }
0xa8: {  	s28 =	simm.s32 $_size_execute0_lowered;
	s4 =	sadd.s32 s4, s6;
	[dreg:$0x0] =	wrdreg $0x0  }
0xa9: {  	s6 =	sshll.u32 s28, $0x1;
	[dreg:$0x2] =	wrdreg s4  }
0xaa: {  	[dreg:$0x3] =	wrdreg s6  }
0xab: {  	[dreg:$0x4] =	wrdreg $0xC0  }
0xac: {  	_ =	task [dreg:s8], $0x5FFFF  }
0xad: {  	[dreg:$0x1] =	wrdreg $0xFFFFFFFF  }
0xae: {  	[dreg:$0x0] =	wrdreg $0x60  }
0xaf: {  	[dreg:$0x2] =	wrdreg s2  }
0xb0: {  	[dreg:$0x3] =	wrdreg s18  }
0xb1: {  	[dreg:$0x4] =	wrdreg s24  }
0xb2: {  	[dreg:$0x5] =	wrdreg $0x80800  }
0xb3: {  	[dreg:$0x6] =	wrdreg $0x9  }
0xb4: {  	_ =	task.clear_ibuf [dreg:s8], $0x7FFFF;
	_ =	strace $0x90000046  }
0xb5: {  	s29 =	simm.s32 $0x9;
	_ =	strace $0x80000048  }
0xb6: {  	_ =	swait.ge [sflag:s29], $0x1  }
0xb7: {  	[sflag:s29] =	ssyncadd.s32 $0xFFFFFFFF  }
0xb8: {  	_ =	strace $0x90000048  }
0xb9: {  	_ =	sfence  }
0xba: {  	s30 =	sld [smem:$0x0];
	_ =	sdelay $0x2  }
0xbb: {  	s31 =	sshll.u32 s1, $0xD;
	s1 =	sshrl.u32 s1, $0x2  }
0xbc: {  	s3 =	sand.u32 $0x4000, s31;
	s1 =	sadd.s32 s1, s30  }
0xbd: {  	s0 =	sor.u32 s3, s0;
	s1 =	sshll.u32 s1, $0x11  }
0xbe: {  	s0 =	sor.u32 s1, s0  }
0xbf: {  	s0 =	sadd.s32 $0x8F2B, s0  }
0xc0: {  	[sflag:s0] =	ssyncadd.remote.s32 $0x1  }
0xc1: {  	_ =	sfence.sel $0xFFFF  }
0xc2: {  	[dreg:$0x0] =	wrdreg $0xFFFFFFFF;
	(pc) =	sbr.abs _section_cstart, $3  }
0xc3: {  	[dreg:$0x1] =	wrdreg $0xFFFFFFFF  }
0xc4: {  	_ =	task.clear_ibuf [dreg:s8], $0x2FFFF;
	_ =	strace $0x9FFFFFFF  }
0xc5: {  	(tm) =	ssettm $0x7FFFFFFF  }
tec
execute0_lowered:
.L_overlay_start_1:
0x0: {  	(tag) =	ssettag $0x1  }
0x1: {  	s20 =	rddreg [dreg:$0x0]  }
0x2: {  	s1 =	rddreg [dreg:$0x1]  }
0x3: {  	s5 =	rddreg [dreg:$0x2]  }
0x4: {  	s3 =	rddreg [dreg:$0x3]  }
0x5: {  	s0 =	rddreg [dreg:$0x4];
	s2 =	stileid.u32  }
0x6: {  	s6 =	srdreg.scid;
	s4 =	simm.s32 $0x0;
	s8 =	smul.u32 $0x50000, s2  }
0x7: {  	s7 =	sand.u32 $0x1, s6;
	[smem:$0x7FF] =	sst s4;
	s17 =	smul.u32 $0x14000, s2  }
0x8: {  	s21 =	sadd.s32 $0x400, s5;
	s5 =	sadd.s32 $0x800, s1;
	s25 =	smul.u32 $0xA20, s2  }
0x9: {  	s6 =	ssub.s32 $0x2, s7;
	_ =	strace $0x80000047;
	s19 =	smul.u32 $0x140000, s7  }
0xa: {  	s22 =	sshll.u32 s7, $0x4;
	s28 =	sshrl.u32 s6, $0x1;
	s29 =	sshrl.u32 s8, $0x2  }
0xb: {  	s13 =	sadd.s32 $0x4000, s17;
	s15 =	sadd.s32 $0x8000, s17;
	s18 =	sadd.s32 $0xC000, s17  }
0xc: {  	s24 =	sadd.s32 $0x10000, s17;
	s31 =	sadd.s32 s25, s20;
	s25 =	simm.s32 $0x0  }
0xd: {  	s9 =	ssub.s32 s6, s28;
	s6 =	sadd.s32 s29, s3;
	s12 =	sadd.s32 s19, s17  }
0xe: {  	s14 =	sadd.s32 s19, s13;
	s13 =	sadd.s32 s13, s3;
	s16 =	sadd.s32 s19, s15  }
0xf: {  	s15 =	sadd.s32 s15, s3;
	s23 =	sadd.s32 s19, s18;
	s17 =	sadd.s32 s18, s3  }
0x10: {  	s30 =	sadd.s32 s19, s24;
	s19 =	sadd.s32 s24, s3;
	s24 =	simm.s32 $0x4080  }
0x11: {  	s7 =	smax.u32 s9, $0x1;
	s8 =	sadd.s32 $0x4000, s6;
	s9 =	sadd.s32 $0x8000, s6  }
0x12: {  	s10 =	sadd.s32 $0xC000, s6;
	s11 =	sadd.s32 $0x10000, s6;
	s12 =	sshrl.u32 s12, $0x3  }
0x13: {  	s14 =	sshrl.u32 s14, $0x3;
	s16 =	sshrl.u32 s16, $0x3;
	s23 =	sshrl.u32 s23, $0x3  }
0x14: {  	s12 =	sadd.s32 s21, s12;
	s18 =	sadd.s32 s21, s23;
	s23 =	sshrl.u32 s30, $0x3  }
0x15: {  	s14 =	sadd.s32 s21, s14;
	s16 =	sadd.s32 s21, s16;
	s20 =	sadd.s32 s21, s23  }
0x16: {  	s21 =	sadd.s32 s22, s31;
	s22 =	simm.s32 $0x80;
	s23 =	simm.s32 $0x1  }
.LBB2_1:
0x17: {  	[tilespmem:s22], [sflag:$0x1] =	stream.linear.gather [hbm4b:s1+s4], $0x4000, $0x38;
	[tilespmem:$0xA880] =	vst v63  }
0x18: {  	_ =	swait.ge [sflag:s23], $0x4000  }
0x19: {  	[sflag:s23] =	ssyncset.done $0x0  }
0x1a: {  	[sflag:s23] =	ssyncadd.s32 $0xFFFFC000  }
0x1b: {  	[tilespmem:s24], [sflag:$0x1] =	stream.linear.gather [hbm4b:s5+s4], $0x4000, $0x38;
	[tilespmem:$0xA880] =	vst v63  }
0x1c: {  	_ =	swait.ge [sflag:s23], $0x4000  }
0x1d: {  	[sflag:s23] =	ssyncset.done $0x0  }
0x1e: {  	[sflag:s23] =	ssyncadd.s32 $0xFFFFC000  }
0x1f: {  	[spmem:s6] =	stream.linear.scatter [tilespmem:s24], [sflag:$0x1], $0x4000, $0x38;
	[tilespmem:$0xA880] =	vst v63  }
0x20: {  	_ =	swait.ge [sflag:s23], $0x4000  }
0x21: {  	[sflag:s23] =	ssyncset.done $0x0  }
0x22: {  	[sflag:s23] =	ssyncadd.s32 $0xFFFFC000  }
0x23: {  	[spmem:s8] =	stream.linear.scatter [tilespmem:s24], [sflag:$0x1], $0x4000, $0x38;
	[tilespmem:$0xA880] =	vst v63  }
0x24: {  	_ =	swait.ge [sflag:s23], $0x4000  }
0x25: {  	[sflag:s23] =	ssyncset.done $0x0  }
0x26: {  	[sflag:s23] =	ssyncadd.s32 $0xFFFFC000  }
0x27: {  	[spmem:s9] =	stream.linear.scatter [tilespmem:s24], [sflag:$0x1], $0x4000, $0x38;
	[tilespmem:$0xA880] =	vst v63  }
0x28: {  	_ =	swait.ge [sflag:s23], $0x4000  }
0x29: {  	[sflag:s23] =	ssyncset.done $0x0  }
0x2a: {  	[sflag:s23] =	ssyncadd.s32 $0xFFFFC000  }
0x2b: {  	[spmem:s10] =	stream.linear.scatter [tilespmem:s24], [sflag:$0x1], $0x4000, $0x38;
	[tilespmem:$0xA880] =	vst v63  }
0x2c: {  	_ =	swait.ge [sflag:s23], $0x4000  }
0x2d: {  	[sflag:s23] =	ssyncset.done $0x0  }
0x2e: {  	[sflag:s23] =	ssyncadd.s32 $0xFFFFC000  }
0x2f: {  	[spmem:s11] =	stream.linear.scatter [tilespmem:s24], [sflag:$0x1], $0x4000, $0x38;
	[tilespmem:$0xA880] =	vst v63  }
0x30: {  	_ =	swait.ge [sflag:s23], $0x4000  }
0x31: {  	[sflag:s23] =	ssyncset.done $0x0  }
0x32: {  	[sflag:s23] =	ssyncadd.s32 $0xFFFFC000  }
0x33: {  	s26 =	sadd.s32 $0x0, s21;
	[bflag:$0x0] =	sbarrier.arrive $0xFFFF  }
0x34: {  	[tilespmem:s4], [sflag:$0x1] =	stream.linear.gather [hbm4b:s26+s4], $0x80, $0x38;
	[tilespmem:$0xA880] =	vst v63  }
0x35: {  	_ =	swait.ge [sflag:s23], $0x80  }
0x36: {  	[sflag:s23] =	ssyncset.done $0x0  }
0x37: {  	[sflag:s23] =	ssyncadd.s32 $0xFFFFFF80  }
0x38: {  	[spmem:s3] =	stream.indirect.scatter.add.f32 [tilespmem:s22], [sflag:$0x1], $0x10, s4, s22, $0xb8;
	[tilespmem:$0xA880] =	vst v63  }
0x39: {  	_ =	swait.ge [sflag:s23], $0x800  }
0x3a: {  	s28 =	simm.s32 $0x40;
	s26 =	simm.s32 $0x20;
	[sflag:s23] =	ssyncset.done $0x0  }
.LBB2_2:
0x3b: {  	s29 =	sadd.s32 s26, s21  }
0x3c: {  	[sflag:s23] =	ssyncadd.s32 $0xFFFFF800;
	s26 =	smov.u32 s28;
	s30 =	sadd.s32 $0x20, s28  }
0x3d: {  	[tilespmem:s4], [sflag:$0x1] =	stream.linear.gather [hbm4b:s29+s4], $0x80, $0x38;
	[tilespmem:$0xA880] =	vst v63  }
0x3e: {  	p0 =	sne.s32 s28, $0xA00;
	_ =	swait.ge [sflag:s23], $0x80  }
.Ltmp0:
0x3f: {  	[sflag:s23] =	ssyncset.done $0x0;
	(pc) =	sbr.rel @p0 .LBB2_2-.Ltmp0, $4  }
0x40: {  	[sflag:s23] =	ssyncadd.s32 $0xFFFFFF80  }
0x41: {  	[spmem:s3] =	stream.indirect.scatter.add.f32 [tilespmem:s22], [sflag:$0x1], $0x10, s4, s22, $0xb8;
	[tilespmem:$0xA880] =	vst v63  }
0x42: {  	_ =	swait.ge [sflag:s23], $0x800  }
0x43: {  	s28 =	smov.u32 s30;
	[sflag:s23] =	ssyncset.done $0x0  }
0x44: {  	s26 =	sadd.s32 s26, s21;
	[sflag:s23] =	ssyncadd.s32 $0xFFFFF800  }
0x45: {  	[tilespmem:s4], [sflag:$0x1] =	stream.linear.gather [hbm4b:s26+s4], $0x80, $0x38;
	[tilespmem:$0xA880] =	vst v63  }
0x46: {  	_ =	swait.ge [sflag:s23], $0x80  }
0x47: {  	[sflag:s23] =	ssyncset.done $0x0  }
0x48: {  	[sflag:s23] =	ssyncadd.s32 $0xFFFFFF80  }
0x49: {  	[spmem:s3] =	stream.indirect.scatter.add.f32 [tilespmem:s22], [sflag:$0x1], $0x10, s4, s22, $0xb8;
	[tilespmem:$0xA880] =	vst v63  }
0x4a: {  	_ =	swait.ge [sflag:s23], $0x800  }
0x4b: {  	[sflag:s23] =	ssyncset.done $0x0  }
0x4c: {  	[sflag:s23] =	ssyncadd.s32 $0xFFFFF800  }
0x4d: {  	[bflag:$0x0] =	sbarrier.arrive $0xFFFF  }
0x4e: {  	[tilespmem:s22], [sflag:$0x1] =	stream.linear.gather [spmem:s6], $0x4000, $0x38;
	[tilespmem:$0xA880] =	vst v63  }
0x4f: {  	_ =	swait.ge [sflag:s23], $0x4000  }
0x50: {  	[sflag:s23] =	ssyncset.done $0x0  }
0x51: {  	[sflag:s23] =	ssyncadd.s32 $0xFFFFC000  }
0x52: {  	[hbm4b:s12+s4] =	stream.linear.scatter [tilespmem:s22], [sflag:$0x1], $0x4000, $0x38;
	[tilespmem:$0xA880] =	vst v63  }
0x53: {  	_ =	swait.ge [sflag:s23], $0x4000  }
0x54: {  	[sflag:s23] =	ssyncset.done $0x0  }
0x55: {  	[sflag:s23] =	ssyncadd.s32 $0xFFFFC000  }
0x56: {  	[tilespmem:s22], [sflag:$0x1] =	stream.linear.gather [spmem:s13], $0x4000, $0x38;
	[tilespmem:$0xA880] =	vst v63  }
0x57: {  	_ =	swait.ge [sflag:s23], $0x4000  }
0x58: {  	[sflag:s23] =	ssyncset.done $0x0  }
0x59: {  	[sflag:s23] =	ssyncadd.s32 $0xFFFFC000  }
0x5a: {  	[hbm4b:s14+s4] =	stream.linear.scatter [tilespmem:s22], [sflag:$0x1], $0x4000, $0x38;
	[tilespmem:$0xA880] =	vst v63  }
0x5b: {  	_ =	swait.ge [sflag:s23], $0x4000  }
0x5c: {  	[sflag:s23] =	ssyncset.done $0x0  }
0x5d: {  	[sflag:s23] =	ssyncadd.s32 $0xFFFFC000  }
0x5e: {  	[tilespmem:s22], [sflag:$0x1] =	stream.linear.gather [spmem:s15], $0x4000, $0x38;
	[tilespmem:$0xA880] =	vst v63  }
0x5f: {  	_ =	swait.ge [sflag:s23], $0x4000  }
0x60: {  	[sflag:s23] =	ssyncset.done $0x0  }
0x61: {  	[sflag:s23] =	ssyncadd.s32 $0xFFFFC000  }
0x62: {  	[hbm4b:s16+s4] =	stream.linear.scatter [tilespmem:s22], [sflag:$0x1], $0x4000, $0x38;
	[tilespmem:$0xA880] =	vst v63  }
0x63: {  	_ =	swait.ge [sflag:s23], $0x4000  }
0x64: {  	[sflag:s23] =	ssyncset.done $0x0  }
0x65: {  	[sflag:s23] =	ssyncadd.s32 $0xFFFFC000  }
0x66: {  	[tilespmem:s22], [sflag:$0x1] =	stream.linear.gather [spmem:s17], $0x4000, $0x38;
	[tilespmem:$0xA880] =	vst v63  }
0x67: {  	_ =	swait.ge [sflag:s23], $0x4000  }
0x68: {  	[sflag:s23] =	ssyncset.done $0x0  }
0x69: {  	[sflag:s23] =	ssyncadd.s32 $0xFFFFC000  }
0x6a: {  	[hbm4b:s18+s4] =	stream.linear.scatter [tilespmem:s22], [sflag:$0x1], $0x4000, $0x38;
	[tilespmem:$0xA880] =	vst v63  }
0x6b: {  	_ =	swait.ge [sflag:s23], $0x4000  }
0x6c: {  	[sflag:s23] =	ssyncset.done $0x0  }
0x6d: {  	[sflag:s23] =	ssyncadd.s32 $0xFFFFC000  }
0x6e: {  	[tilespmem:s22], [sflag:$0x1] =	stream.linear.gather [spmem:s19], $0x4000, $0x38;
	[tilespmem:$0xA880] =	vst v63  }
0x6f: {  	s25 =	sadd.s32 $0x1, s25;
	_ =	swait.ge [sflag:s23], $0x4000  }
0x70: {  	p0 =	sne.s32 s25, s7;
	[sflag:s23] =	ssyncset.done $0x0  }
.Ltmp1:
0x71: {  	[sflag:s23] =	ssyncadd.s32 $0xFFFFC000;
	(pc) =	sbr.rel @p0 .LBB2_1-.Ltmp1, $4  }
0x72: {  	[hbm4b:s20+s4] =	stream.linear.scatter [tilespmem:s22], [sflag:$0x1], $0x4000, $0x38;
	[tilespmem:$0xA880] =	vst v63  }
0x73: {  	_ =	swait.ge [sflag:s23], $0x4000  }
0x74: {  	[sflag:s23] =	ssyncset.done $0x0  }
0x75: {  	[sflag:s23] =	ssyncadd.s32 $0xFFFFC000  }
0x76: {  	_ =	sfence.sel $0x180000  }
0x77: {  	[bflag:$0x0] =	sbarrier.arrive $0xFFFF  }
0x78: {  	p0 =	sne.s32 s2, $0x0;
	_ =	strace $0x90000047  }
0x79: {  	s0 =	sadd.s32 @!p0 $0x100000, s0;
	[bflag:$0x2] =	sbarrier.arrive $0xFFFF  }
0x7a: {  	[sflag:s0] =	ssyncadd.tile.s32 @!p0 $0x1;
	_ =	shalt  }
.Lfunc_end2:
_tile_overlayer_lowered:
.L_overlay_start_2:
0x7b: {  	(tag) =	ssettag $0x2  }
0x7c: {  	s0 =	rddreg [dreg:$0x0];
	s2 =	stileid.u32  }
0x7d: {  	s1 =	rddreg [dreg:$0x1];
	p0 =	sne.s32 s2, $0x0  }
0x7e: {  	s3 =	rddreg [dreg:$0x2];
	[bflag:$0x3] =	sbarrier.arrive $0xFFFF;
	s2 =	simm.s32 @!p0 $0x1C01  }
0x7f: {  	[timem:s3], [sflag:s2] =	dma.local @!p0 [hbm:s0], s1  }
0x80: {  	s0 =	simm.s32 @!p0 $0x1  }
0x81: {  	_ =	swait.ge @!p0 [sflag:s0], s1  }
0x82: {  	s1 =	ssub.s32 @!p0 $0x0, s1;
	[sflag:s0] =	ssyncset.done @!p0 $0x0  }
0x83: {  	[sflag:s0] =	ssyncadd.s32 @!p0 s1  }
0x84: {  	[bflag:$0x3] =	sbarrier.arrive $0xFFFF  }
0x85: {  	_ =	shalt  }

</sc_bundles>
